<compile_context>
chip_gen: v7x
topology: tpu7x:2x2x1
jax: 0.10.2.dev20260603
libtpu: 0.0.44.dev20260713+nightly
codegen_flags: <defaults>
</compile_context>

<pallas_src>
import functools

import jax
import jax.numpy as jnp
from jax import lax
from jax.experimental import pallas as pl
from jax.experimental.pallas import tpu as pltpu
from jax.experimental.pallas import tpu_sc as plsc

N_NODE = 10000
N_EDGE = 320000
FEAT = 128
N_GRAPH = 64
N_CLS = 10

N_TILES = 32
E_PER_TILE = N_EDGE // N_TILES
CHUNK = 80
N_CHUNK = E_PER_TILE // CHUNK
N_PAD = 10240
R_PER_TILE = N_PAD // 16

_MESH = plsc.VectorSubcoreMesh(core_axis_name="c", subcore_axis_name="s")



def _deg_body(dst_hbm, ones_hbm, zeros_hbm, out_hbm, didx, ones_v, acc, sem):
    cid = lax.axis_index("c")
    sid = lax.axis_index("s")
    pltpu.sync_copy(zeros_hbm, acc.at[pl.ds(sid * R_PER_TILE, R_PER_TILE)])
    pltpu.sync_copy(ones_hbm, ones_v)
    plsc.subcore_barrier()
    tile_base = (cid * 16 + sid) * E_PER_TILE

    def body(it, carry):
        base = pl.multiple_of(tile_base + it * CHUNK, 8)
        pltpu.sync_copy(dst_hbm.at[pl.ds(base, CHUNK)], didx)
        pltpu.sync_copy(ones_v, acc.at[didx], add=True)
        return carry

    lax.fori_loop(0, N_CHUNK, body, 0)
    plsc.subcore_barrier()
    pltpu.sync_copy(acc.at[pl.ds(sid * R_PER_TILE, R_PER_TILE)],
                    out_hbm.at[cid, pl.ds(sid * R_PER_TILE, R_PER_TILE)])


@functools.partial(jax.jit, donate_argnums=())
def _sc_degree(dst, ones16, zeros16):
    return pl.kernel(
        _deg_body,
        out_type=jax.ShapeDtypeStruct((2, N_PAD, 16), jnp.float32),
        mesh=_MESH,
        scratch_types=[
            pltpu.VMEM((CHUNK,), jnp.int32),
            pltpu.VMEM((CHUNK, 16), jnp.float32),
            pltpu.VMEM_SHARED((N_PAD, 16), jnp.float32),
            pltpu.SemaphoreType.DMA,
        ],
    )(dst, ones16, zeros16)


def _scat_body(g_hbm, src_hbm, dst_hbm, zeros_hbm, out_hbm,
               sidx, didx, rows, acc, sem):
    cid = lax.axis_index("c")
    sid = lax.axis_index("s")
    pltpu.sync_copy(zeros_hbm, acc.at[pl.ds(sid * R_PER_TILE, R_PER_TILE)])
    plsc.subcore_barrier()
    tile_base = (cid * 16 + sid) * E_PER_TILE

    def body(it, carry):
        base = pl.multiple_of(tile_base + it * CHUNK, 8)
        pltpu.sync_copy(src_hbm.at[pl.ds(base, CHUNK)], sidx)
        pltpu.sync_copy(dst_hbm.at[pl.ds(base, CHUNK)], didx)
        pltpu.async_copy(g_hbm.at[sidx], rows, sem).wait()
        pltpu.sync_copy(rows, acc.at[didx], add=True)
        return carry

    lax.fori_loop(0, N_CHUNK, body, 0)
    plsc.subcore_barrier()
    pltpu.sync_copy(acc.at[pl.ds(sid * R_PER_TILE, R_PER_TILE)],
                    out_hbm.at[cid, pl.ds(sid * R_PER_TILE, R_PER_TILE)])


def _sc_scatter(g, src, dst, zeros128):
    return pl.kernel(
        _scat_body,
        out_type=jax.ShapeDtypeStruct((2, N_PAD, FEAT), jnp.float32),
        mesh=_MESH,
        scratch_types=[
            pltpu.VMEM((CHUNK,), jnp.int32),
            pltpu.VMEM((CHUNK,), jnp.int32),
            pltpu.VMEM((CHUNK, FEAT), jnp.float32),
            pltpu.VMEM_SHARED((N_PAD, FEAT), jnp.float32),
            pltpu.SemaphoreType.DMA,
        ],
    )(g, src, dst, zeros128)



_BLK = 1000
_GRID = N_NODE // _BLK


def _dinv_from(degp_ref):
    deg = degp_ref[0, :, 0:1] + degp_ref[1, :, 0:1] + 1.0
    return lax.rsqrt(deg)


def _tc1_body(degp_ref, x_ref, w1_ref, g1_ref):
    dinv = _dinv_from(degp_ref)
    h = jnp.dot(x_ref[...], w1_ref[...], preferred_element_type=jnp.float32)
    g1_ref[...] = dinv * h


def _tc1(degp, x, W1):
    return pl.pallas_call(
        _tc1_body,
        grid=(_GRID,),
        in_specs=[
            pl.BlockSpec((2, _BLK, 16), lambda i: (0, i, 0)),
            pl.BlockSpec((_BLK, FEAT), lambda i: (i, 0)),
            pl.BlockSpec((FEAT, FEAT), lambda i: (0, 0)),
        ],
        out_specs=pl.BlockSpec((_BLK, FEAT), lambda i: (i, 0)),
        out_shape=jax.ShapeDtypeStruct((N_NODE, FEAT), jnp.float32),
    )(degp, x, W1)


def _tc2_body(p_ref, g1_ref, degp_ref, w2_ref, b1_ref, g2_ref):
    dinv = _dinv_from(degp_ref)
    h1 = dinv * (p_ref[0] + p_ref[1] + g1_ref[...]) + b1_ref[...]
    h1 = jnp.maximum(h1, 0.0)
    g2_ref[...] = dinv * jnp.dot(h1, w2_ref[...],
                                 preferred_element_type=jnp.float32)


def _tc2(P1, g1, degp, W2, b1):
    return pl.pallas_call(
        _tc2_body,
        grid=(_GRID,),
        in_specs=[
            pl.BlockSpec((2, _BLK, FEAT), lambda i: (0, i, 0)),
            pl.BlockSpec((_BLK, FEAT), lambda i: (i, 0)),
            pl.BlockSpec((2, _BLK, 16), lambda i: (0, i, 0)),
            pl.BlockSpec((FEAT, FEAT), lambda i: (0, 0)),
            pl.BlockSpec((1, FEAT), lambda i: (0, 0)),
        ],
        out_specs=pl.BlockSpec((_BLK, FEAT), lambda i: (i, 0)),
        out_shape=jax.ShapeDtypeStruct((N_NODE, FEAT), jnp.float32),
    )(P1, g1, degp, W2, b1)


def _tc3_body(p_ref, g2_ref, degp_ref, b2_ref, batch_ref, wlin_ref, blin_ref,
              out_ref, pooled_scr, cnt_scr):
    i = pl.program_id(0)

    @pl.when(i == 0)
    def _():
        pooled_scr[...] = jnp.zeros_like(pooled_scr)
        cnt_scr[...] = jnp.zeros_like(cnt_scr)

    dinv = _dinv_from(degp_ref)
    h2 = dinv * (p_ref[0] + p_ref[1] + g2_ref[...]) + b2_ref[...]
    h2 = jnp.maximum(h2, 0.0)
    cols = lax.broadcasted_iota(jnp.int32, (_BLK, N_GRAPH), 1)
    oh = (batch_ref[...] == cols).astype(jnp.float32)
    dims = (((0,), (0,)), ((), ()))
    pooled_scr[...] += lax.dot_general(oh, h2, dims,
                                       preferred_element_type=jnp.float32)
    cnt_scr[...] += lax.dot_general(oh, jnp.ones_like(h2), dims,
                                    preferred_element_type=jnp.float32)
    pooled = pooled_scr[...] / jnp.maximum(cnt_scr[...], 1.0)
    out_ref[...] = jnp.dot(pooled, wlin_ref[...],
                           preferred_element_type=jnp.float32) + blin_ref[...]


def _tc3(P2, g2, degp, b2, batch, Wlin, blin):
    return pl.pallas_call(
        _tc3_body,
        grid=(_GRID,),
        in_specs=[
            pl.BlockSpec((2, _BLK, FEAT), lambda i: (0, i, 0)),
            pl.BlockSpec((_BLK, FEAT), lambda i: (i, 0)),
            pl.BlockSpec((2, _BLK, 16), lambda i: (0, i, 0)),
            pl.BlockSpec((1, FEAT), lambda i: (0, 0)),
            pl.BlockSpec((_BLK, 1), lambda i: (i, 0)),
            pl.BlockSpec((FEAT, N_CLS), lambda i: (0, 0)),
            pl.BlockSpec((1, N_CLS), lambda i: (0, 0)),
        ],
        out_specs=pl.BlockSpec((N_GRAPH, N_CLS), lambda i: (0, 0)),
        out_shape=jax.ShapeDtypeStruct((N_GRAPH, N_CLS), jnp.float32),
        scratch_shapes=[
            pltpu.VMEM((N_GRAPH, FEAT), jnp.float32),
            pltpu.VMEM((N_GRAPH, FEAT), jnp.float32),
        ],
    )(P2, g2, degp, b2, batch, Wlin, blin)



def kernel(x, edge_index, batch, W1, b1, W2, b2, Wlin, blin):
    src = edge_index[0].astype(jnp.int32)
    dst = edge_index[1].astype(jnp.int32)
    batch_i = batch.astype(jnp.int32).reshape(N_NODE, 1)
    zeros128 = jnp.zeros((R_PER_TILE, FEAT), jnp.float32)
    zeros16 = jnp.zeros((R_PER_TILE, 16), jnp.float32)
    ones16 = jnp.ones((CHUNK, 16), jnp.float32)

    degp = _sc_degree(dst, ones16, zeros16)
    g1 = _tc1(degp, x, W1)
    P1 = _sc_scatter(g1, src, dst, zeros128)
    g2 = _tc2(P1, g1, degp, W2, b1.reshape(1, FEAT))
    P2 = _sc_scatter(g2, src, dst, zeros128)
    return _tc3(P2, g2, degp, b2.reshape(1, FEAT), batch_i,
                Wlin, blin.reshape(1, N_CLS))

# --- scband reference (transcript-rebuilt; emitter-appended) ---
"""Pipeline reference for scband-gcnnet-1228360647292 (READ-ONLY COPY).

The authoritative reference and input builder live on the scoring server;
editing this copy changes nothing except your own understanding.
"""

import jax, jax.numpy as jnp
import numpy as np

N_NODES = 10000
N_EDGES = 320000
IN_CH = 128
HID_CH = 128
N_CLASSES = 10
N_GRAPHS = 64


def setup_inputs(seed: int = 0) -> dict:
    key = jax.random.key(seed)
    ks = jax.random.split(key, 10)
    x = jax.random.normal(ks[0], (N_NODES, IN_CH), dtype=jnp.float32)
    edge_index = jax.random.randint(ks[1], (2, N_EDGES), 0, N_NODES, dtype=jnp.int64)
    batch = jnp.sort(jax.random.randint(ks[2], (N_NODES,), 0, N_GRAPHS, dtype=jnp.int64))
    s1 = 1.0 / np.sqrt(IN_CH)
    s2 = 1.0 / np.sqrt(HID_CH)
    W1 = jax.random.uniform(ks[3], (IN_CH, HID_CH), minval=-s1, maxval=s1, dtype=jnp.float32)
    b1 = jnp.zeros((HID_CH,), dtype=jnp.float32)
    W2 = jax.random.uniform(ks[4], (HID_CH, HID_CH), minval=-s2, maxval=s2, dtype=jnp.float32)
    b2 = jnp.zeros((HID_CH,), dtype=jnp.float32)
    Wlin = jax.random.uniform(ks[5], (HID_CH, N_CLASSES), minval=-s2, maxval=s2, dtype=jnp.float32)
    blin = jax.random.uniform(ks[6], (N_CLASSES,), minval=-s2, maxval=s2, dtype=jnp.float32)
    return {"x": x, "edge_index": edge_index, "batch": batch,
            "W1": W1, "b1": b1, "W2": W2, "b2": b2, "Wlin": Wlin, "blin": blin}


def _gcn_conv(x, edge_index, W, b, num_nodes):
    # PyG GCNConv: x' = D^{-1/2} (A + I) D^{-1/2} (X W) + b
    h = x @ W
    src = edge_index[0]
    dst = edge_index[1]
    loop = jnp.arange(num_nodes, dtype=src.dtype)
    src = jnp.concatenate([src, loop])
    dst = jnp.concatenate([dst, loop])
    deg = jax.ops.segment_sum(jnp.ones_like(dst, dtype=h.dtype), dst, num_segments=num_nodes)
    dinv = jnp.where(deg > 0, jax.lax.rsqrt(deg), 0.0)
    norm = dinv[src] * dinv[dst]
    msg = h[src] * norm[:, None]
    out = jax.ops.segment_sum(msg, dst, num_segments=num_nodes)
    return out + b


def _global_mean_pool(h, batch, num_graphs):
    sums = jax.ops.segment_sum(h, batch, num_segments=num_graphs)
    cnts = jax.ops.segment_sum(jnp.ones((h.shape[0],), dtype=h.dtype), batch, num_segments=num_graphs)
    return sums / jnp.maximum(cnts, 1.0)[:, None]


def reference(x, edge_index, batch, W1, b1, W2, b2, Wlin, blin):
    h = jax.nn.relu(_gcn_conv(x, edge_index, W1, b1, N_NODES))
    h = jax.nn.relu(_gcn_conv(h, edge_index, W2, b2, N_NODES))
    pooled = _global_mean_pool(h, batch, N_GRAPHS)
    logits = pooled @ Wlin + blin
    return logits

if __name__ == "__main__":
    import jax
    _d = setup_inputs()
    print(jax.jit(kernel)(*tuple(_d.values())))

</pallas_src>

<mosaic_0001>
#map = affine_map<(d0, d1) -> (0)>
#map1 = affine_map<(d0, d1) -> (0, 0)>
#map2 = affine_map<(d0, d1) -> (0, 0, 0)>
module attributes {stable_mosaic.version = 14 : i64} {
  func.func @_deg_body(%arg0: i32, %arg1: i32, %arg2: memref<320000xi32, #tpu.memory_space<hbm>>, %arg3: memref<80x16xf32, #tpu.memory_space<hbm>>, %arg4: memref<640x16xf32, #tpu.memory_space<hbm>>, %arg5: memref<2x10240x16xf32, #tpu.memory_space<hbm>>, %arg6: memref<80xi32, #tpu.memory_space<vmem>>, %arg7: memref<80x16xf32, #tpu.memory_space<vmem>>, %arg8: memref<10240x16xf32, #tpu.memory_space<vmem_shared>>, %arg9: memref<!tpu.dma_semaphore, #tpu.memory_space<semaphore_mem>>) attributes {dimension_semantics = [#tpu.dimension_semantics<core_parallel>, #tpu.dimension_semantics<subcore_parallel>], iteration_bounds = array<i64: 2, 16>, scalar_prefetch = 0 : i64, scratch_operands = 4 : i64, tpu.core_type = #tpu.core_type<sc_vector_subcore>, window_params = [{transform_indices = #map}, {transform_indices = #map1}, {transform_indices = #map1}, {transform_indices = #map2}]} {
    %mul3A = arith.constant 640 : i32
    %mul3A_0 = arith.muli %arg1, %mul3A : i32
    "tpu.region"() ({
      %run_scoped3A = tpu.sem_alloc : memref<!tpu.dma_semaphore, #tpu.memory_space<semaphore_mem>>
      %dma_start3A = arith.constant 0 : i32
      %dma_start3A_15 = tpu.memref_slice %arg8[%mul3A_0, %dma_start3A] : memref<10240x16xf32, #tpu.memory_space<vmem_shared>> -> memref<640x16xf32, #tpu.memory_space<vmem_shared>>
      tpu.enqueue_dma source(%arg4 : memref<640x16xf32, #tpu.memory_space<hbm>>) target(%dma_start3A_15 : memref<640x16xf32, #tpu.memory_space<vmem_shared>>) target_semaphore(%run_scoped3A : memref<!tpu.dma_semaphore, #tpu.memory_space<semaphore_mem>>)
      %dma_wait3A = arith.constant 0 : i32
      %dma_wait3A_16 = tpu.memref_slice %arg8[%mul3A_0, %dma_wait3A] : memref<10240x16xf32, #tpu.memory_space<vmem_shared>> -> memref<640x16xf32, #tpu.memory_space<vmem_shared>>
      tpu.wait_dma2 semaphore(%run_scoped3A : memref<!tpu.dma_semaphore, #tpu.memory_space<semaphore_mem>>) src(%arg4 : memref<640x16xf32, #tpu.memory_space<hbm>>) dst(%dma_wait3A_16 : memref<640x16xf32, #tpu.memory_space<vmem_shared>>)
      tpu.yield
    }) : () -> ()
    "tpu.region"() ({
      %run_scoped3A = tpu.sem_alloc : memref<!tpu.dma_semaphore, #tpu.memory_space<semaphore_mem>>
      tpu.enqueue_dma source(%arg3 : memref<80x16xf32, #tpu.memory_space<hbm>>) target(%arg7 : memref<80x16xf32, #tpu.memory_space<vmem>>) target_semaphore(%run_scoped3A : memref<!tpu.dma_semaphore, #tpu.memory_space<semaphore_mem>>)
      tpu.wait_dma2 semaphore(%run_scoped3A : memref<!tpu.dma_semaphore, #tpu.memory_space<semaphore_mem>>) src(%arg3 : memref<80x16xf32, #tpu.memory_space<hbm>>) dst(%arg7 : memref<80x16xf32, #tpu.memory_space<vmem>>)
      tpu.yield
    }) : () -> ()
    %barrier3A = arith.constant 0 : index
    tpu.barrier barrier_id(%barrier3A)
    %mul3A_1 = arith.constant 16 : i32
    %mul3A_2 = arith.muli %arg0, %mul3A_1 : i32
    %add3A = arith.addi %mul3A_2, %arg1 : i32
    %mul3A_3 = arith.constant 10000 : i32
    %mul3A_4 = arith.muli %add3A, %mul3A_3 : i32
    %scan3A = arith.constant 0 : i32
    %scan3A_5 = arith.constant 0 : i32
    %scan3A_6 = arith.constant 125 : i32
    %scan3A_7 = arith.addi %scan3A_5, %scan3A_6 : i32
    %scan3A_8 = arith.constant 1 : i32
    scf.for %scan3A_15 = %scan3A_5 to %scan3A_7 step %scan3A_8  : i32 {
      %mul3A_16 = arith.constant 80 : i32
      %mul3A_17 = arith.muli %scan3A_15, %mul3A_16 : i32
      %add3A_18 = arith.addi %mul3A_4, %mul3A_17 : i32
      %multiple_of3A = tpu.assume_multiple %add3A_18, 8 : i32
      "tpu.region"() ({
        %run_scoped3A = tpu.sem_alloc : memref<!tpu.dma_semaphore, #tpu.memory_space<semaphore_mem>>
        %dma_start3A = tpu.memref_slice %arg2[%multiple_of3A] : memref<320000xi32, #tpu.memory_space<hbm>> -> memref<80xi32, #tpu.memory_space<hbm>>
        %dma_start3A_19 = tpu.memref_slice %arg2[%multiple_of3A] : memref<320000xi32, #tpu.memory_space<hbm>> -> memref<80xi32, #tpu.memory_space<hbm>>
        tpu.enqueue_dma source(%dma_start3A_19 : memref<80xi32, #tpu.memory_space<hbm>>) target(%arg6 : memref<80xi32, #tpu.memory_space<vmem>>) target_semaphore(%run_scoped3A : memref<!tpu.dma_semaphore, #tpu.memory_space<semaphore_mem>>)
        %dma_wait3A = tpu.memref_slice %arg2[%multiple_of3A] : memref<320000xi32, #tpu.memory_space<hbm>> -> memref<80xi32, #tpu.memory_space<hbm>>
        %dma_wait3A_20 = tpu.memref_slice %arg2[%multiple_of3A] : memref<320000xi32, #tpu.memory_space<hbm>> -> memref<80xi32, #tpu.memory_space<hbm>>
        tpu.wait_dma2 semaphore(%run_scoped3A : memref<!tpu.dma_semaphore, #tpu.memory_space<semaphore_mem>>) src(%dma_wait3A_20 : memref<80xi32, #tpu.memory_space<hbm>>) dst(%arg6 : memref<80xi32, #tpu.memory_space<vmem>>)
        tpu.yield
      }) : () -> ()
      "tpu.region"() ({
        %run_scoped3A = tpu.sem_alloc : memref<!tpu.dma_semaphore, #tpu.memory_space<semaphore_mem>>
        %dma_start3A = arith.constant 0 : i32
        %dma_start3A_19 = arith.constant 0 : i32
        %dma_start3A_20 = tpu.memref_slice %arg8[%dma_start3A, %dma_start3A_19] : memref<10240x16xf32, #tpu.memory_space<vmem_shared>> -> memref<10240x16xf32, #tpu.memory_space<vmem_shared>>
        tpu.enqueue_indirect_dma source(%arg7 : memref<80x16xf32, #tpu.memory_space<vmem>>) target(%dma_start3A_20 : memref<10240x16xf32, #tpu.memory_space<vmem_shared>>) offsets(%arg6 : memref<80xi32, #tpu.memory_space<vmem>>) semaphore(%run_scoped3A : memref<!tpu.dma_semaphore, #tpu.memory_space<semaphore_mem>>) {add = true}
        %dma_wait3A = arith.constant 0 : i32
        %dma_wait3A_21 = arith.constant 0 : i32
        %dma_wait3A_22 = tpu.memref_slice %arg8[%dma_wait3A, %dma_wait3A_21] : memref<10240x16xf32, #tpu.memory_space<vmem_shared>> -> memref<10240x16xf32, #tpu.memory_space<vmem_shared>>
        tpu.wait_indirect_dma semaphore(%run_scoped3A : memref<!tpu.dma_semaphore, #tpu.memory_space<semaphore_mem>>) src(%arg7 : memref<80x16xf32, #tpu.memory_space<vmem>>) dst(%dma_wait3A_22 : memref<10240x16xf32, #tpu.memory_space<vmem_shared>>)
        tpu.yield
      }) : () -> ()
    }
    %scan3A_9 = arith.constant 125 : i32
    %barrier3A_10 = arith.constant 0 : index
    tpu.barrier barrier_id(%barrier3A_10)
    %mul3A_11 = arith.constant 640 : i32
    %mul3A_12 = arith.muli %arg1, %mul3A_11 : i32
    %mul3A_13 = arith.constant 640 : i32
    %mul3A_14 = arith.muli %arg1, %mul3A_13 : i32
    "tpu.region"() ({
      %run_scoped3A = tpu.sem_alloc : memref<!tpu.dma_semaphore, #tpu.memory_space<semaphore_mem>>
      %dma_start3A = arith.constant 0 : i32
      %dma_start3A_15 = tpu.memref_slice %arg5[%arg0, %mul3A_14, %dma_start3A] : memref<2x10240x16xf32, #tpu.memory_space<hbm>> -> memref<1x640x16xf32, #tpu.memory_space<hbm>>
      %dma_start3A_16 = tpu.memref_squeeze %dma_start3A_15 : memref<1x640x16xf32, #tpu.memory_space<hbm>> -> memref<640x16xf32, #tpu.memory_space<hbm>>
      %dma_start3A_17 = arith.constant 0 : i32
      %dma_start3A_18 = tpu.memref_slice %arg8[%mul3A_12, %dma_start3A_17] : memref<10240x16xf32, #tpu.memory_space<vmem_shared>> -> memref<640x16xf32, #tpu.memory_space<vmem_shared>>
      tpu.enqueue_dma source(%dma_start3A_18 : memref<640x16xf32, #tpu.memory_space<vmem_shared>>) target(%dma_start3A_16 : memref<640x16xf32, #tpu.memory_space<hbm>>) target_semaphore(%run_scoped3A : memref<!tpu.dma_semaphore, #tpu.memory_space<semaphore_mem>>)
      %dma_wait3A = arith.constant 0 : i32
      %dma_wait3A_19 = tpu.memref_slice %arg5[%arg0, %mul3A_14, %dma_wait3A] : memref<2x10240x16xf32, #tpu.memory_space<hbm>> -> memref<1x640x16xf32, #tpu.memory_space<hbm>>
      %dma_wait3A_20 = tpu.memref_squeeze %dma_wait3A_19 : memref<1x640x16xf32, #tpu.memory_space<hbm>> -> memref<640x16xf32, #tpu.memory_space<hbm>>
      %dma_wait3A_21 = arith.constant 0 : i32
      %dma_wait3A_22 = tpu.memref_slice %arg8[%mul3A_12, %dma_wait3A_21] : memref<10240x16xf32, #tpu.memory_space<vmem_shared>> -> memref<640x16xf32, #tpu.memory_space<vmem_shared>>
      tpu.wait_dma2 semaphore(%run_scoped3A : memref<!tpu.dma_semaphore, #tpu.memory_space<semaphore_mem>>) src(%dma_wait3A_22 : memref<640x16xf32, #tpu.memory_space<vmem_shared>>) dst(%dma_wait3A_20 : memref<640x16xf32, #tpu.memory_space<hbm>>)
      tpu.yield
    }) : () -> ()
    return
  }
}

</mosaic_0001>

<sc_bundles>
// kernel: _sc_degree.3.cloned.1.call-start
scs
__scs_entry_jumppad:
0x0: {  	(pc) =	sbr.rel $0x88, $3  }
0x1: {  	(tag) =	ssettag $0x0;
	lr =	simm.s32 $0x1  }
0x2: {  	[smem:$0x3F9E] =	sst lr;
	_ =	strace $0xD0000000  }
0x3: {  	_ = 	snop  }
0x4: {  	_ = 	snop  }
0x5: {  	_ = 	snop  }
0x6: {  	_ = 	snop  }
0x7: {  	_ = 	snop  }
__scs_overlays_trampoline_lowered:
0x8: {  	[smem:$0x3FAD] =	sst s0  }
0x9: {  	[smem:$0x3FAE] =	sst s1  }
0xa: {  	[smem:$0x3FAF] =	sst s2  }
0xb: {  	[smem:$0x3FB0] =	sst s3  }
0xc: {  	[smem:$0x3FB1] =	sst s4  }
0xd: {  	[smem:$0x3FB2] =	sst s5  }
0xe: {  	[smem:$0x3FB3] =	sst s6  }
0xf: {  	[smem:$0x3FB4] =	sst s7  }
0x10: {  	[smem:$0x3FB5] =	sst s8  }
0x11: {  	[smem:$0x3FB6] =	sst s9;
	s0 =	simm.s32 @!p0 $0x0  }
0x12: {  	s1 =	sld [smem:$0x3F9C];
	s0 =	simm.s32 @p0 $0x1  }
0x13: {  	[smem:$0x3FB7] =	sst s0;
	s0 =	simm.s32 @!p1 $0x0  }
0x14: {  	s2 =	sld [smem:$0x3F9B];
	s0 =	simm.s32 @p1 $0x1  }
0x15: {  	[smem:$0x3FB8] =	sst s0;
	s0 =	simm.s32 @!p2 $0x0  }
0x16: {  	s3 =	sld [smem:$0x3FDB];
	s0 =	simm.s32 @p2 $0x1  }
0x17: {  	s4 =	simm.s32 $0x1BF5;
	[smem:$0x3FBA] =	sst s0  }
0x18: {  	s0 =	sld [smem:$0x3F9D];
	_ =	swait.ge [sflag:s4], $0x0  }
0x19: {  	s7 =	sld [smem:$0x3F9E]  }
0x1a: {  	s8 =	sadd.s32 $0xFFFFE003, lr  }
0x1b: {  	s9 =	sadd.s32 $0xFFFFFEF7, lr;
	s5 =	simm.s32 $0xFFFFFFFF;
	p2 =	slt.u32 s8, $0xFFFFF086  }
0x1c: {  	p1 =	slt.u32 s9, $0xF7A;
	s5 =	simm.s32 @!p2 $0x0  }
0x1d: {  	s5 =	simm.s32 @p1 $0x1;
	p0 =	seq.s32 s7, s2  }
0x1e: {  	s7 =	smul.u32 @!p0 $0xF7A, s2;
	p2 =	seq.s32 @!p0 s5, $0x0  }
0x1f: {  	s9 =	smul.u32 $0xF7A, s1;
	s8 =	simm.s32 @!p0 $0x1BF5;
	p2 =	por !p2, p0  }
0x20: {  	[sflag:s8] =	ssyncset.s32 @!p0 $0xFFFFF086;
	s6 =	sadd.s32 @!p0 s3, s7;
	s7 =	simm.s32 @!p0 $0x108  }
0x21: {  	s3 =	sadd.s32 s3, s9;
	s6 =	sadd.s32 @!p0 $0x88, s6;
	s7 =	simm.s32 @p2 $0x1082  }
0x22: {  	[simem:s7], [sflag:s8] =	dma.local @!p0 [hbm:s6], $0xF7A  }
0x23: {  	s9 =	sor.u32 $0xD0000000, s2;
	s6 =	simm.s32 $0x108;
	_ =	swait.ge @!p0 [sflag:s8], $0x0  }
0x24: {  	s3 =	sadd.s32 $0x88, s3;
	s6 =	simm.s32 @!p1 $0x1082;
	[sflag:s4] =	ssyncset.s32 $0xFFFFF086  }
0x25: {  	[simem:s6], [sflag:s4] =	dma.local [hbm:s3], $0xF7A  }
0x26: {  	[smem:$0x3F9E] =	sst s1;
	(tag) =	ssettag s2;
	_ =	strace s9  }
0x27: {  	s1 =	sld [smem:$0x3FAE]  }
0x28: {  	s2 =	sld [smem:$0x3FAF]  }
0x29: {  	s4 =	sld [smem:$0x3FB1]  }
0x2a: {  	p0 =	seq.s32 s5, $0x0;
	s5 =	sld [smem:$0x3FB2]  }
0x2b: {  	s6 =	sld [smem:$0x3FB3]  }
0x2c: {  	s7 =	sld [smem:$0x3FB4]  }
0x2d: {  	s3 =	simm.s32 $0x108;
	s8 =	sld [smem:$0x3FB5]  }
0x2e: {  	s3 =	simm.s32 @!p0 $0x1082;
	s9 =	sld [smem:$0x3FB6]  }
0x2f: {  	lr =	sadd.s32 s0, s3;
	s0 =	sld [smem:$0x3FAD]  }
0x30: {  	s3 =	sld [smem:$0x3FB0]  }
0x31: {  	[smem:$0x3FB9] =	sst s10  }
0x32: {  	s10 =	sld [smem:$0x3FB7];
	_ =	sdelay $0x3  }
0x33: {  	p0 =	seq.s32 s10, $0x1;
	s10 =	sld [smem:$0x3FB9];
	_ =	sdelay $0x3  }
0x34: {  	[smem:$0x3FB9] =	sst s10  }
0x35: {  	s10 =	sld [smem:$0x3FB8];
	_ =	sdelay $0x3  }
0x36: {  	p1 =	seq.s32 s10, $0x1;
	s10 =	sld [smem:$0x3FB9];
	_ =	sdelay $0x3  }
0x37: {  	[smem:$0x3FB9] =	sst s10  }
0x38: {  	s10 =	sld [smem:$0x3FBA]  }
0x39: {  	_ = 	snop;
	(pc) =	sbr.ind lr, $3  }
0x3a: {  	_ = 	snop  }
0x3b: {  	_ = 	snop  }
0x3c: {  	p2 =	seq.s32 s10, $0x1;
	s10 =	sld [smem:$0x3FB9]  }
0x3d: {  	_ =	shalt  }
0x3e: {  	_ =	shalt  }
0x3f: {  	_ =	shalt  }
0x40: {  	_ =	shalt  }
0x41: {  	_ =	shalt  }
0x42: {  	_ =	shalt  }
0x43: {  	_ =	shalt  }
0x44: {  	_ =	shalt  }
0x45: {  	_ =	shalt  }
0x46: {  	_ =	shalt  }
0x47: {  	_ =	shalt  }
0x48: {  	_ =	shalt  }
0x49: {  	_ =	shalt  }
0x4a: {  	_ =	shalt  }
0x4b: {  	_ =	shalt  }
0x4c: {  	_ =	shalt  }
0x4d: {  	_ =	shalt  }
0x4e: {  	_ =	shalt  }
0x4f: {  	_ =	shalt  }
0x50: {  	_ =	shalt  }
0x51: {  	_ =	shalt  }
0x52: {  	_ =	shalt  }
0x53: {  	_ =	shalt  }
0x54: {  	_ =	shalt  }
0x55: {  	_ =	shalt  }
0x56: {  	_ =	shalt  }
0x57: {  	_ =	shalt  }
0x58: {  	_ =	shalt  }
0x59: {  	_ =	shalt  }
0x5a: {  	_ =	shalt  }
0x5b: {  	_ =	shalt  }
0x5c: {  	_ =	shalt  }
0x5d: {  	_ =	shalt  }
0x5e: {  	_ =	shalt  }
0x5f: {  	_ =	shalt  }
0x60: {  	_ =	shalt  }
0x61: {  	_ =	shalt  }
0x62: {  	_ =	shalt  }
0x63: {  	_ =	shalt  }
0x64: {  	_ =	shalt  }
0x65: {  	_ =	shalt  }
0x66: {  	_ =	shalt  }
0x67: {  	_ =	shalt  }
0x68: {  	_ =	shalt  }
0x69: {  	_ =	shalt  }
0x6a: {  	_ =	shalt  }
0x6b: {  	_ =	shalt  }
0x6c: {  	_ =	shalt  }
0x6d: {  	_ =	shalt  }
0x6e: {  	_ =	shalt  }
0x6f: {  	_ =	shalt  }
0x70: {  	_ =	shalt  }
0x71: {  	_ =	shalt  }
0x72: {  	_ =	shalt  }
0x73: {  	_ =	shalt  }
0x74: {  	_ =	shalt  }
0x75: {  	_ =	shalt  }
0x76: {  	_ =	shalt  }
0x77: {  	_ =	shalt  }
0x78: {  	_ =	shalt  }
0x79: {  	_ =	shalt  }
0x7a: {  	_ =	shalt  }
0x7b: {  	_ =	shalt  }
0x7c: {  	_ =	shalt  }
0x7d: {  	_ =	shalt  }
0x7e: {  	_ =	shalt  }
0x7f: {  	_ =	shalt  }
0x80: {  	_ =	shalt  }
0x81: {  	_ =	shalt  }
0x82: {  	_ =	shalt  }
0x83: {  	_ =	shalt  }
0x84: {  	_ =	shalt  }
0x85: {  	_ =	shalt  }
0x86: {  	_ =	shalt  }
0x87: {  	_ =	shalt  }
.Lfunc_end0:
.L_simem_size_0:
called_computation_lowered:
.L_overlay_start_0:
0x88: {  	s2 =	sld [smem:$0x3FD9]  }
0x89: {  	s3 =	sld [smem:$0x3FFE];
	_ =	sdelay $0x1  }
0x8a: {  	s1 =	srdreg.scid  }
0x8b: {  	s0 =	sand.u32 $0x1, s1  }
0x8c: {  	s17 =	sshll.u32 s0, $0xA;
	s2 =	sadd.s32 s3, s2  }
0x8d: {  	s2 =	sadd.s32 s2, s17  }
0x8e: {  	[smem:$0x3FC5] =	sst s2  }
0x8f: {  	_ = 	snop  }
0x90: {  	s2 =	sld [smem:$0x3FC9]  }
0x91: {  	s18 =	sld [smem:$0x3FD0];
	(tm) =	ssettm $0x1  }
0x92: {  	s4 =	sld [smem:$0x3FFB];
	_ =	sdelay $0x3  }
0x93: {  	_ =	strace s4  }
0x94: {  	s4 =	sld [smem:$0x3FFC];
	_ =	sdelay $0x3  }
0x95: {  	_ =	strace s4  }
0x96: {  	s4 =	sld [smem:$0x3FFD];
	_ =	sdelay $0x3  }
0x97: {  	_ =	strace s4  }
0x98: {  	_ =	strace $0x8FFFFFFF  }
0x99: {  	s19 =	sld [smem:$0x3FDB];
	_ =	sdelay $0x1  }
0x9a: {  	s5 =	simm.s32 $_scs_section_size  }
0x9b: {  	s6 =	simm.s32 $_size__tile_overlayer_lowered;
	s7 =	simm.s32 $_tile_overlayer_lowered  }
0x9c: {  	s22 =	simm.s32 $0x1BFF;
	s21 =	sshll.u32 s7, $0x1;
	s4 =	sadd.s32 s5, s19  }
0x9d: {  	s8 =	simm.s32 $0x0;
	s20 =	sshll.u32 s6, $0x1;
	s6 =	sadd.s32 s21, s4  }
0x9e: {  	[timem:s8], [sflag:s22] =	dma.local [hbm:s6], s20  }
0x9f: {  	_ =	swait.ge [sflag:s22], s20  }
0xa0: {  	s5 =	ssub.s32 $0x0, s20;
	[sflag:s22] =	ssyncset.done $0x0  }
0xa1: {  	[sflag:s22] =	ssyncadd.s32 s5;
	_ =	sdelay $0x1  }
0xa2: {  	s23 =	simm.s32 $0x1B8B  }
0xa3: {  	_ =	swait.ge [sflag:s23], $0x1  }
0xa4: {  	[sflag:s23] =	ssyncset.done $0x0  }
0xa5: {  	s25 =	simm.s32 $0x1B8E;
	s24 =	sld [smem:$0x3FFE];
	[sflag:s23] =	ssyncadd.s32 $0xFFFFFFFF  }
0xa6: {  	s26 =	simm.s32 $execute0_lowered;
	[smem:$0x3FD2] =	sst s25  }
0xa7: {  	s6 =	sshll.u32 s26, $0x1;
	_ =	strace $0x80000046;
	[dreg:$0x1] =	wrdreg $0xFFFFFFFF  }
0xa8: {  	s28 =	simm.s32 $_size_execute0_lowered;
	s4 =	sadd.s32 s4, s6;
	[dreg:$0x0] =	wrdreg $0x0  }
0xa9: {  	s6 =	sshll.u32 s28, $0x1;
	[dreg:$0x2] =	wrdreg s4  }
0xaa: {  	[dreg:$0x3] =	wrdreg s6  }
0xab: {  	[dreg:$0x4] =	wrdreg $0xC0  }
0xac: {  	_ =	task [dreg:s8], $0x5FFFF  }
0xad: {  	[dreg:$0x1] =	wrdreg $0xFFFFFFFF  }
0xae: {  	[dreg:$0x0] =	wrdreg $0x60  }
0xaf: {  	[dreg:$0x2] =	wrdreg s2  }
0xb0: {  	[dreg:$0x3] =	wrdreg s24  }
0xb1: {  	[dreg:$0x4] =	wrdreg s18  }
0xb2: {  	[dreg:$0x5] =	wrdreg $0x28800  }
0xb3: {  	[dreg:$0x6] =	wrdreg $0x9  }
0xb4: {  	_ =	task.clear_ibuf [dreg:s8], $0x7FFFF;
	_ =	strace $0x90000046  }
0xb5: {  	s29 =	simm.s32 $0x9;
	_ =	strace $0x80000048  }
0xb6: {  	_ =	swait.ge [sflag:s29], $0x1  }
0xb7: {  	[sflag:s29] =	ssyncadd.s32 $0xFFFFFFFF  }
0xb8: {  	_ =	strace $0x90000048  }
0xb9: {  	_ =	sfence  }
0xba: {  	s30 =	sld [smem:$0x0];
	_ =	sdelay $0x2  }
0xbb: {  	s31 =	sshll.u32 s1, $0xD;
	s1 =	sshrl.u32 s1, $0x2  }
0xbc: {  	s3 =	sand.u32 $0x4000, s31;
	s1 =	sadd.s32 s1, s30  }
0xbd: {  	s0 =	sor.u32 s3, s0;
	s1 =	sshll.u32 s1, $0x11  }
0xbe: {  	s0 =	sor.u32 s1, s0  }
0xbf: {  	s0 =	sadd.s32 $0x8F2B, s0  }
0xc0: {  	[sflag:s0] =	ssyncadd.remote.s32 $0x1  }
0xc1: {  	_ =	sfence.sel $0xFFFF  }
0xc2: {  	[dreg:$0x0] =	wrdreg $0xFFFFFFFF;
	(pc) =	sbr.abs _section_cstart, $3  }
0xc3: {  	[dreg:$0x1] =	wrdreg $0xFFFFFFFF  }
0xc4: {  	_ =	task.clear_ibuf [dreg:s8], $0x2FFFF;
	_ =	strace $0x9FFFFFFF  }
0xc5: {  	(tm) =	ssettm $0x7FFFFFFF  }
tec
execute0_lowered:
.L_overlay_start_1:
0x0: {  	(tag) =	ssettag $0x1  }
0x1: {  	s9 =	rddreg [dreg:$0x0]  }
0x2: {  	s6 =	rddreg [dreg:$0x1]  }
0x3: {  	s1 =	rddreg [dreg:$0x2];
	s3 =	srdreg.scid  }
0x4: {  	s2 =	rddreg [dreg:$0x3];
	s7 =	sand.u32 $0x1, s3  }
0x5: {  	s3 =	stileid.u32;
	s8 =	smul.u32 $0x140000, s7  }
0x6: {  	s0 =	rddreg [dreg:$0x4];
	s10 =	smul.u32 $0x14000, s3  }
0x7: {  	s4 =	simm.s32 $0x0;
	s14 =	simm.s32 $0x0;
	s26 =	smul.u32 $0x50000, s3  }
0x8: {  	[smem:$0x7FF] =	sst s4;
	s11 =	ssub.s32 $0x2, s7;
	s7 =	smul.u32 $0x27100, s7  }
0x9: {  	s5 =	sadd.s32 $0x400, s6;
	_ =	strace $0x80000047;
	s12 =	smul.u32 $0x2710, s3  }
0xa: {  	s30 =	sshll.u32 s3, $0x6;
	s28 =	sshrl.u32 s11, $0x1;
	s8 =	sadd.s32 s10, s8  }
0xb: {  	s11 =	ssub.s32 s11, s28;
	s29 =	sshrl.u32 s26, $0x2;
	s31 =	sadd.s32 s12, s7  }
0xc: {  	s12 =	simm.s32 $0x80;
	s8 =	sshrl.u32 s8, $0x3;
	s13 =	sadd.s32 s29, s2  }
0xd: {  	s10 =	sshrl.u32 s31, $0x3;
	s8 =	sadd.s32 s8, s6;
	s6 =	sor.u32 $0x1C01, s30  }
0xe: {  	s9 =	sadd.s32 s10, s9;
	s10 =	sshrl.u32 s13, $0x3;
	s13 =	simm.s32 $0x50  }
0xf: {  	s7 =	sadd.s32 $0xA00, s8;
	s8 =	smax.u32 s11, $0x1;
	s11 =	simm.s32 $0x1  }
.LBB2_1:
0x10: {  	[spmem:s10], [sflag:s6] =	dma.local [hbm:s1], $0x2800  }
0x11: {  	_ =	swait.ge [sflag:s11], $0x2800  }
0x12: {  	[sflag:s11] =	ssyncset.done $0x0  }
0x13: {  	[sflag:s11] =	ssyncadd.s32 $0xFFFFD800  }
0x14: {  	[tilespmem:s12], [sflag:$0x1] =	stream.linear.gather [hbm4b:s5+s4], $0x2800, $0x38;
	[tilespmem:$0x5080] =	vst v63  }
0x15: {  	_ =	swait.ge [sflag:s11], $0x2800  }
0x16: {  	[sflag:s11] =	ssyncset.done $0x0  }
0x17: {  	[sflag:s11] =	ssyncadd.s32 $0xFFFFD800  }
0x18: {  	s15 =	sadd.s32 $0x0, s9;
	[bflag:$0x0] =	sbarrier.arrive $0xFFFF  }
0x19: {  	[tilespmem:s4], [sflag:$0x1] =	stream.linear.gather [hbm4b:s15+s4], $0x50, $0x38;
	[tilespmem:$0x5080] =	vst v63  }
0x1a: {  	_ =	swait.ge [sflag:s11], $0x50  }
0x1b: {  	[sflag:s11] =	ssyncset.done $0x0  }
0x1c: {  	[sflag:s11] =	ssyncadd.s32 $0xFFFFFFB0  }
0x1d: {  	[spmem:s2] =	stream.indirect.scatter.add.f32 [tilespmem:s12], [sflag:$0x1], $0x10, s4, s13, $0xb8;
	[tilespmem:$0x5080] =	vst v63  }
0x1e: {  	_ =	swait.ge [sflag:s11], $0x500  }
0x1f: {  	s16 =	simm.s32 $0x14;
	s15 =	simm.s32 $0xA;
	[sflag:s11] =	ssyncset.done $0x0  }
.LBB2_2:
0x20: {  	s17 =	sadd.s32 s15, s9  }
0x21: {  	[sflag:s11] =	ssyncadd.s32 $0xFFFFFB00;
	s15 =	smov.u32 s16;
	s18 =	sadd.s32 $0xA, s16  }
0x22: {  	[tilespmem:s4], [sflag:$0x1] =	stream.linear.gather [hbm4b:s17+s4], $0x50, $0x38;
	[tilespmem:$0x5080] =	vst v63  }
0x23: {  	p0 =	sne.s32 s16, $0x4D8;
	_ =	swait.ge [sflag:s11], $0x50  }
.Ltmp0:
0x24: {  	[sflag:s11] =	ssyncset.done $0x0;
	(pc) =	sbr.rel @p0 .LBB2_2-.Ltmp0, $4  }
0x25: {  	[sflag:s11] =	ssyncadd.s32 $0xFFFFFFB0  }
0x26: {  	[spmem:s2] =	stream.indirect.scatter.add.f32 [tilespmem:s12], [sflag:$0x1], $0x10, s4, s13, $0xb8;
	[tilespmem:$0x5080] =	vst v63  }
0x27: {  	_ =	swait.ge [sflag:s11], $0x500  }
0x28: {  	s16 =	smov.u32 s18;
	[sflag:s11] =	ssyncset.done $0x0  }
0x29: {  	s15 =	sadd.s32 s15, s9;
	[sflag:s11] =	ssyncadd.s32 $0xFFFFFB00  }
0x2a: {  	[tilespmem:s4], [sflag:$0x1] =	stream.linear.gather [hbm4b:s15+s4], $0x50, $0x38;
	[tilespmem:$0x5080] =	vst v63  }
0x2b: {  	_ =	swait.ge [sflag:s11], $0x50  }
0x2c: {  	[sflag:s11] =	ssyncset.done $0x0  }
0x2d: {  	[sflag:s11] =	ssyncadd.s32 $0xFFFFFFB0  }
0x2e: {  	[spmem:s2] =	stream.indirect.scatter.add.f32 [tilespmem:s12], [sflag:$0x1], $0x10, s4, s13, $0xb8;
	[tilespmem:$0x5080] =	vst v63  }
0x2f: {  	_ =	swait.ge [sflag:s11], $0x500  }
0x30: {  	s14 =	sadd.s32 $0x1, s14;
	[sflag:s11] =	ssyncset.done $0x0  }
0x31: {  	p0 =	sne.s32 s14, s8;
	[sflag:s11] =	ssyncadd.s32 $0xFFFFFB00  }
.Ltmp1:
0x32: {  	[bflag:$0x0] =	sbarrier.arrive $0xFFFF;
	(pc) =	sbr.rel @p0 .LBB2_1-.Ltmp1, $4  }
0x33: {  	[hbm:s7], [sflag:s6] =	dma.local [spmem:s10], $0x2800  }
0x34: {  	_ =	swait.ge [sflag:s11], $0x2800  }
0x35: {  	[sflag:s11] =	ssyncset.done $0x0  }
0x36: {  	[sflag:s11] =	ssyncadd.s32 $0xFFFFD800  }
0x37: {  	_ =	sfence.sel $0x180000  }
0x38: {  	[bflag:$0x0] =	sbarrier.arrive $0xFFFF  }
0x39: {  	p0 =	sne.s32 s3, $0x0;
	_ =	strace $0x90000047  }
0x3a: {  	s0 =	sadd.s32 @!p0 $0x100000, s0;
	[bflag:$0x2] =	sbarrier.arrive $0xFFFF  }
0x3b: {  	[sflag:s0] =	ssyncadd.tile.s32 @!p0 $0x1;
	_ =	shalt  }
.Lfunc_end2:
_tile_overlayer_lowered:
.L_overlay_start_2:
0x3c: {  	(tag) =	ssettag $0x2  }
0x3d: {  	s0 =	rddreg [dreg:$0x0];
	s2 =	stileid.u32  }
0x3e: {  	s1 =	rddreg [dreg:$0x1];
	p0 =	sne.s32 s2, $0x0  }
0x3f: {  	s3 =	rddreg [dreg:$0x2];
	[bflag:$0x3] =	sbarrier.arrive $0xFFFF;
	s2 =	simm.s32 @!p0 $0x1C01  }
0x40: {  	[timem:s3], [sflag:s2] =	dma.local @!p0 [hbm:s0], s1  }
0x41: {  	s0 =	simm.s32 @!p0 $0x1  }
0x42: {  	_ =	swait.ge @!p0 [sflag:s0], s1  }
0x43: {  	s1 =	ssub.s32 @!p0 $0x0, s1;
	[sflag:s0] =	ssyncset.done @!p0 $0x0  }
0x44: {  	[sflag:s0] =	ssyncadd.s32 @!p0 s1  }
0x45: {  	[bflag:$0x3] =	sbarrier.arrive $0xFFFF  }
0x46: {  	_ =	shalt  }

</sc_bundles>
